<compile_context>
chip_gen: v7x
topology: tpu7x:2x2x1
jax: 0.10.2.dev20260603
libtpu: 0.0.44.dev20260713+nightly
codegen_flags: <defaults>
</compile_context>

<pallas_src>
import functools

import jax
import jax.numpy as jnp
from jax import lax
from jax.experimental import pallas as pl
from jax.experimental.pallas import tpu as pltpu
from jax.experimental.pallas import tpu_sc as plsc

CUTOFF = 6.0
RESCALE = 16.0

_L = 16
_NT = 16
_NC = 2
_G = 32


def _ln_silu(h, g, b):
    mu = jnp.mean(h, axis=-1, keepdims=True)
    var = jnp.mean((h - mu) ** 2, axis=-1, keepdims=True)
    hn = (h - mu) * lax.rsqrt(var + 1e-5) * g + b
    return hn * jax.nn.sigmoid(hn)


def _edge_body(xe_ref, wig_ref, d_ref, w1_ref, b1_ref, g1_ref, be1_ref,
               w2_ref, b2_ref, g2_ref, be2_ref, w3_ref, b3_ref, out_ref):
    h = jnp.dot(xe_ref[...], w1_ref[...], preferred_element_type=jnp.float32)
    h = _ln_silu(h + b1_ref[...], g1_ref[...], be1_ref[...])
    h = jnp.dot(h, w2_ref[...], preferred_element_type=jnp.float32)
    h = _ln_silu(h + b2_ref[...], g2_ref[...], be2_ref[...])
    h = jnp.dot(h, w3_ref[...], preferred_element_type=jnp.float32) + b3_ref[...]
    d = d_ref[...] / CUTOFF
    env = jnp.where(d < 1.0,
                    1.0 - 21.0 * d**5 + 35.0 * d**6 - 15.0 * d**7,
                    0.0) / RESCALE
    wig = wig_ref[...]
    C = 128
    for m in range(9):
        acc = (wig[:, 3 * m:3 * m + 1] * h[:, 0:C]
               + wig[:, 3 * m + 1:3 * m + 2] * h[:, C:2 * C]
               + wig[:, 3 * m + 2:3 * m + 3] * h[:, 2 * C:3 * C])
        out_ref[:, C * m:C * (m + 1)] = acc * env


def _edge_embeddings(x_edge, wsl, d2, W1T, b1, g1, be1, W2T, b2, g2, be2, W3T, b3):
    E = x_edge.shape[0]
    BE = 640
    cw = lambda i: (0, 0)
    return pl.pallas_call(
        _edge_body,
        grid=(E // BE,),
        in_specs=[
            pl.BlockSpec((BE, 128), lambda i: (i, 0)),
            pl.BlockSpec((BE, 27), lambda i: (i, 0)),
            pl.BlockSpec((BE, 1), lambda i: (i, 0)),
            pl.BlockSpec((128, 128), cw),
            pl.BlockSpec((1, 128), cw),
            pl.BlockSpec((1, 128), cw),
            pl.BlockSpec((1, 128), cw),
            pl.BlockSpec((128, 128), cw),
            pl.BlockSpec((1, 128), cw),
            pl.BlockSpec((1, 128), cw),
            pl.BlockSpec((1, 128), cw),
            pl.BlockSpec((128, 384), cw),
            pl.BlockSpec((1, 384), cw),
        ],
        out_specs=pl.BlockSpec((BE, 1152), lambda i: (i, 0)),
        out_shape=jax.ShapeDtypeStruct((E, 1152), jnp.float32),
    )(x_edge, wsl, d2, W1T, b1, g1, be1, W2T, b2, g2, be2, W3T, b3)


def _make_scatter(E, NP, D, CHUNK, NCH):
    EPT = E // _NT
    SCAN_B = 2000
    NSCAN = EPT // SCAN_B
    ROWS_PT = CHUNK // _NT
    COMP = SCAN_B + _G
    NR = NCH // _NC
    mesh = plsc.VectorSubcoreMesh(core_axis_name="c", subcore_axis_name="s")

    @functools.partial(
        pl.kernel,
        mesh=mesh,
        compiler_params=pltpu.CompilerParams(needs_layout_passes=False),
        out_type=jax.ShapeDtypeStruct((NP, D), jnp.float32),
        scratch_types=[
            pltpu.VMEM((SCAN_B,), jnp.int32),
            pltpu.VMEM((COMP,), jnp.int32),
            pltpu.VMEM((COMP,), jnp.int32),
            pltpu.VMEM((_G,), jnp.int32),
            pltpu.VMEM((_G,), jnp.int32),
            pltpu.VMEM((_G, D), jnp.float32),
            pltpu.VMEM_SHARED((CHUNK + 8, D), jnp.float32),
            pltpu.SemaphoreType.DMA,
        ],
    )
    def scat(emb_hbm, dst_hbm, xp_hbm, out_hbm,
             dstb, gidb, lidb, gidx, lidx, rows, acc, sem):
        cid = lax.axis_index("c")
        sid = lax.axis_index("s")
        lane = lax.iota(jnp.int32, _L)
        zeros16 = jnp.zeros((_L,), jnp.int32)
        for r in range(NR):
            ch = _NC * r + cid
            lo = ch * CHUNK
            row0 = lo + sid * ROWS_PT
            arow = sid * ROWS_PT
            pltpu.sync_copy(xp_hbm.at[pl.ds(row0, ROWS_PT)],
                            acc.at[pl.ds(arow, ROWS_PT)])
            plsc.subcore_barrier()
            for sb in range(NSCAN):
                e0 = sid * EPT + sb * SCAN_B
                pltpu.sync_copy(dst_hbm.at[pl.ds(e0, SCAN_B)], dstb)

                def scan_body(i, off):
                    d = dstb[pl.ds(i * _L, _L)]
                    m = (d >= lo) & (d < lo + CHUNK)
                    c = plsc.cumsum(jnp.where(m, 1, 0).astype(jnp.int32))
                    pos = off + c - 1
                    eids = e0 + i * _L + lane
                    plsc.store_scatter(gidb, [pos], eids, mask=m)
                    plsc.store_scatter(lidb, [pos], d - lo, mask=m)
                    return off + plsc.all_reduce_population_count(m)

                off = lax.fori_loop(0, SCAN_B // _L, scan_body, zeros16)
                for j in range(_G // _L):
                    ppos = off + j * _L + lane
                    plsc.store_scatter(gidb, [ppos], zeros16)
                    plsc.store_scatter(lidb, [ppos],
                                       jnp.full((_L,), CHUNK, jnp.int32))
                cnt = jnp.max(off)
                ngroups = (cnt + (_G - 1)) // _G

                def drain(gi, carry):
                    for j in range(_G // _L):
                        gidx[pl.ds(j * _L, _L)] = gidb[pl.ds(gi * _G + j * _L, _L)]
                        lidx[pl.ds(j * _L, _L)] = lidb[pl.ds(gi * _G + j * _L, _L)]
                    pltpu.async_copy(emb_hbm.at[gidx], rows, sem).wait()
                    pltpu.sync_copy(rows, acc.at[lidx], add=True)
                    return carry

                lax.fori_loop(0, ngroups, drain, 0)
            plsc.subcore_barrier()
            pltpu.sync_copy(acc.at[pl.ds(arow, ROWS_PT)],
                            out_hbm.at[pl.ds(row0, ROWS_PT)])
            plsc.subcore_barrier()

    return scat


def kernel(x, x_edge, edge_distance, edge_index, wigner_and_M_mapping_inv,
           W1, b1, g1, be1, W2, b2, g2, be2, W3, b3):
    N, MALL, C = x.shape
    E = x_edge.shape[0]
    D = MALL * C
    wsl = wigner_and_M_mapping_inv[:, :, :3].reshape(E, 27)
    d2 = edge_distance.reshape(E, 1)
    dst = edge_index[1]
    emb = _edge_embeddings(
        x_edge, wsl, d2,
        W1.T, b1.reshape(1, -1), g1.reshape(1, -1), be1.reshape(1, -1),
        W2.T, b2.reshape(1, -1), g2.reshape(1, -1), be2.reshape(1, -1),
        W3.T, b3.reshape(1, -1))
    return x.at[dst].add(emb.reshape(E, MALL, C))

# --- scband reference (transcript-rebuilt; emitter-appended) ---
"""Pipeline reference for scband-edge-degree-embedding-30897994727603 (READ-ONLY COPY).

The authoritative reference and input builder live on the scoring server;
editing this copy changes nothing except your own understanding.
"""

import jax, jax.numpy as jnp
import numpy as np

N = 10000
E = 160000
C = 128
M0 = 3
MALL = 9
CUTOFF = 6.0
RESCALE = 16.0
CH = [128, 128, 128, 384]

def _layernorm(h, g, b, eps=1e-5):
    mu = jnp.mean(h, axis=-1, keepdims=True)
    var = jnp.var(h, axis=-1, keepdims=True)
    return (h - mu) / jnp.sqrt(var + eps) * g + b

def setup_inputs(seed: int = 0):
    key = jax.random.key(seed)
    ks = jax.random.split(key, 16)
    inp = {}
    inp["x"] = jax.random.normal(ks[0], (N, MALL, C), dtype=jnp.float32)
    inp["x_edge"] = jax.random.normal(ks[1], (E, CH[0]), dtype=jnp.float32)
    inp["edge_distance"] = jax.random.uniform(ks[2], (E,), minval=0.1, maxval=CUTOFF, dtype=jnp.float32)
    inp["edge_index"] = jax.random.randint(ks[3], (2, E), 0, N, dtype=jnp.int32)
    inp["wigner_and_M_mapping_inv"] = jax.random.normal(ks[4], (E, MALL, MALL), dtype=jnp.float32) * 0.2
    inp["W1"] = jax.random.normal(ks[5], (CH[1], CH[0]), dtype=jnp.float32) / np.sqrt(CH[0])
    inp["b1"] = jnp.zeros((CH[1],), dtype=jnp.float32)
    inp["g1"] = jnp.ones((CH[1],), dtype=jnp.float32)
    inp["be1"] = jnp.zeros((CH[1],), dtype=jnp.float32)
    inp["W2"] = jax.random.normal(ks[6], (CH[2], CH[1]), dtype=jnp.float32) / np.sqrt(CH[1])
    inp["b2"] = jnp.zeros((CH[2],), dtype=jnp.float32)
    inp["g2"] = jnp.ones((CH[2],), dtype=jnp.float32)
    inp["be2"] = jnp.zeros((CH[2],), dtype=jnp.float32)
    inp["W3"] = jax.random.normal(ks[7], (CH[3], CH[2]), dtype=jnp.float32) / np.sqrt(CH[2])
    inp["b3"] = jnp.zeros((CH[3],), dtype=jnp.float32)
    return inp

def reference(x, x_edge, edge_distance, edge_index, wigner_and_M_mapping_inv, W1, b1, g1, be1, W2, b2, g2, be2, W3, b3):
    # RadialMLP: Linear -> LayerNorm -> SiLU -> Linear -> LayerNorm -> SiLU -> Linear
    h = x_edge @ W1.T + b1
    h = jax.nn.silu(_layernorm(h, g1, be1))
    h = h @ W2.T + b2
    h = jax.nn.silu(_layernorm(h, g2, be2))
    h = h @ W3.T + b3
    x_edge_m_0 = h.reshape(-1, M0, C)
    pad = jnp.zeros((x_edge_m_0.shape[0], MALL - M0, C), dtype=x_edge_m_0.dtype)
    emb = jnp.concatenate((x_edge_m_0, pad), axis=1)
    # bmm with per-edge inverse Wigner / M-mapping matrices
    emb = jnp.einsum('emn,enc->emc', wigner_and_M_mapping_inv, emb)
    # polynomial envelope, exponent p=5
    d = edge_distance / CUTOFF
    env = jnp.where(d < 1.0, 1.0 - 21.0 * d**5 + 35.0 * d**6 - 15.0 * d**7, 0.0)
    emb = emb * env[:, None, None]
    # scatter-add into destination nodes (node_offset = 0)
    return x.at[edge_index[1]].add(emb / RESCALE)

if __name__ == "__main__":
    import jax
    _d = setup_inputs()
    print(jax.jit(kernel)(*tuple(_d.values())))

</pallas_src>

<mosaic_0001>
module attributes {stable_mosaic.version = 14 : i64} {
  func.func @_edge_body(%arg0: i32, %arg1: memref<640x128xf32, #tpu.memory_space<vmem>>, %arg2: memref<640x27xf32, #tpu.memory_space<vmem>>, %arg3: memref<640x1xf32, #tpu.memory_space<vmem>>, %arg4: memref<128x128xf32, #tpu.memory_space<vmem>>, %arg5: memref<1x128xf32, #tpu.memory_space<vmem>>, %arg6: memref<1x128xf32, #tpu.memory_space<vmem>>, %arg7: memref<1x128xf32, #tpu.memory_space<vmem>>, %arg8: memref<128x128xf32, #tpu.memory_space<vmem>>, %arg9: memref<1x128xf32, #tpu.memory_space<vmem>>, %arg10: memref<1x128xf32, #tpu.memory_space<vmem>>, %arg11: memref<1x128xf32, #tpu.memory_space<vmem>>, %arg12: memref<128x384xf32, #tpu.memory_space<vmem>>, %arg13: memref<1x384xf32, #tpu.memory_space<vmem>>, %arg14: memref<640x1152xf32, #tpu.memory_space<vmem>>) attributes {dimension_semantics = [#tpu.dimension_semantics<arbitrary>], iteration_bounds = array<i64: 250>, scalar_prefetch = 0 : i64, scratch_operands = 0 : i64, tpu.core_type = #tpu.core_type<tc>, window_params = [{transform_indices = @transform_0, window_bounds = array<i64: 640, 128>}, {transform_indices = @transform_1, window_bounds = array<i64: 640, 27>}, {transform_indices = @transform_2, window_bounds = array<i64: 640, 1>}, {pipeline_mode = #tpu.pipeline_mode<synchronous>, transform_indices = @transform_3, window_bounds = array<i64: 128, 128>}, {pipeline_mode = #tpu.pipeline_mode<synchronous>, transform_indices = @transform_4, window_bounds = array<i64: 1, 128>}, {pipeline_mode = #tpu.pipeline_mode<synchronous>, transform_indices = @transform_5, window_bounds = array<i64: 1, 128>}, {pipeline_mode = #tpu.pipeline_mode<synchronous>, transform_indices = @transform_6, window_bounds = array<i64: 1, 128>}, {pipeline_mode = #tpu.pipeline_mode<synchronous>, transform_indices = @transform_7, window_bounds = array<i64: 128, 128>}, {pipeline_mode = #tpu.pipeline_mode<synchronous>, transform_indices = @transform_8, window_bounds = array<i64: 1, 128>}, {pipeline_mode = #tpu.pipeline_mode<synchronous>, transform_indices = @transform_9, window_bounds = array<i64: 1, 128>}, {pipeline_mode = #tpu.pipeline_mode<synchronous>, transform_indices = @transform_10, window_bounds = array<i64: 1, 128>}, {pipeline_mode = #tpu.pipeline_mode<synchronous>, transform_indices = @transform_11, window_bounds = array<i64: 128, 384>}, {pipeline_mode = #tpu.pipeline_mode<synchronous>, transform_indices = @transform_12, window_bounds = array<i64: 1, 384>}, {transform_indices = @transform_13, window_bounds = array<i64: 640, 1152>}]} {
    %get3A = arith.constant 0 : index
    %get3A_0 = arith.constant 0 : index
    %get3A_1 = vector.load %arg1[%get3A, %get3A_0] : memref<640x128xf32, #tpu.memory_space<vmem>>, vector<640x128xf32>
    %get3A_2 = arith.constant 0 : index
    %get3A_3 = arith.constant 0 : index
    %get3A_4 = vector.load %arg4[%get3A_2, %get3A_3] : memref<128x128xf32, #tpu.memory_space<vmem>>, vector<128x128xf32>
    %dot_general3A = arith.constant dense<0.000000e+00> : vector<640x128xf32>
    %dot_general3A_5 = tpu.matmul %get3A_1, %get3A_4, %dot_general3A {dimension_numbers = #tpu.dot_dimension_numbers<[1], [0], [0], [1], [0, 0, 1, 1], [], []>, transpose_lhs_hint = false} : vector<640x128xf32>, vector<128x128xf32>, vector<640x128xf32> -> vector<640x128xf32>
    %get3A_6 = arith.constant 0 : index
    %get3A_7 = arith.constant 0 : index
    %get3A_8 = vector.load %arg5[%get3A_6, %get3A_7] : memref<1x128xf32, #tpu.memory_space<vmem>>, vector<1x128xf32>
    %add3A = vector.broadcast %get3A_8 : vector<1x128xf32> to vector<640x128xf32>
    %add3A_9 = arith.addf %dot_general3A_5, %add3A : vector<640x128xf32>
    %get3A_10 = arith.constant 0 : index
    %get3A_11 = arith.constant 0 : index
    %get3A_12 = vector.load %arg6[%get3A_10, %get3A_11] : memref<1x128xf32, #tpu.memory_space<vmem>>, vector<1x128xf32>
    %get3A_13 = arith.constant 0 : index
    %get3A_14 = arith.constant 0 : index
    %get3A_15 = vector.load %arg7[%get3A_13, %get3A_14] : memref<1x128xf32, #tpu.memory_space<vmem>>, vector<1x128xf32>
    %reduce_sum3A = arith.constant dense<0.000000e+00> : vector<640xf32>
    %reduce_sum3A_16 = vector.multi_reduction <add>, %add3A_9, %reduce_sum3A [1] : vector<640x128xf32> to vector<640xf32>
    %broadcast_in_dim3A = vector.shape_cast %reduce_sum3A_16 : vector<640xf32> to vector<640x1xf32>
    %div3A = arith.constant 1.280000e+02 : f32
    %div3A_17 = vector.broadcast %div3A : f32 to vector<640x1xf32>
    %div3A_18 = arith.divf %broadcast_in_dim3A, %div3A_17 : vector<640x1xf32>
    %sub3A = vector.broadcast %div3A_18 : vector<640x1xf32> to vector<640x128xf32>
    %sub3A_19 = arith.subf %add3A_9, %sub3A : vector<640x128xf32>
    %integer_pow3A = arith.mulf %sub3A_19, %sub3A_19 : vector<640x128xf32>
    %reduce_sum3A_20 = arith.constant dense<0.000000e+00> : vector<640xf32>
    %reduce_sum3A_21 = vector.multi_reduction <add>, %integer_pow3A, %reduce_sum3A_20 [1] : vector<640x128xf32> to vector<640xf32>
    %broadcast_in_dim3A_22 = vector.shape_cast %reduce_sum3A_21 : vector<640xf32> to vector<640x1xf32>
    %div3A_23 = arith.constant 1.280000e+02 : f32
    %div3A_24 = vector.broadcast %div3A_23 : f32 to vector<640x1xf32>
    %div3A_25 = arith.divf %broadcast_in_dim3A_22, %div3A_24 : vector<640x1xf32>
    %sub3A_26 = vector.broadcast %div3A_18 : vector<640x1xf32> to vector<640x128xf32>
    %sub3A_27 = arith.subf %add3A_9, %sub3A_26 : vector<640x128xf32>
    %add3A_28 = arith.constant 9.99999974E-6 : f32
    %add3A_29 = vector.broadcast %add3A_28 : f32 to vector<640x1xf32>
    %add3A_30 = arith.addf %div3A_25, %add3A_29 : vector<640x1xf32>
    %rsqrt3A = math.rsqrt %add3A_30 : vector<640x1xf32>
    %mul3A = vector.broadcast %rsqrt3A : vector<640x1xf32> to vector<640x128xf32>
    %mul3A_31 = arith.mulf %sub3A_27, %mul3A : vector<640x128xf32>
    %mul3A_32 = vector.broadcast %get3A_12 : vector<1x128xf32> to vector<640x128xf32>
    %mul3A_33 = arith.mulf %mul3A_31, %mul3A_32 : vector<640x128xf32>
    %add3A_34 = vector.broadcast %get3A_15 : vector<1x128xf32> to vector<640x128xf32>
    %add3A_35 = arith.addf %mul3A_33, %add3A_34 : vector<640x128xf32>
    %logistic3A = arith.negf %add3A_35 : vector<640x128xf32>
    %logistic3A_36 = math.exp %logistic3A : vector<640x128xf32>
    %logistic3A_37 = arith.constant 1.000000e+00 : f32
    %logistic3A_38 = vector.broadcast %logistic3A_37 : f32 to vector<640x128xf32>
    %logistic3A_39 = arith.addf %logistic3A_38, %logistic3A_36 : vector<640x128xf32>
    %logistic3A_40 = arith.divf %logistic3A_38, %logistic3A_39 : vector<640x128xf32>
    %mul3A_41 = arith.mulf %add3A_35, %logistic3A_40 : vector<640x128xf32>
    %get3A_42 = arith.constant 0 : index
    %get3A_43 = arith.constant 0 : index
    %get3A_44 = vector.load %arg8[%get3A_42, %get3A_43] : memref<128x128xf32, #tpu.memory_space<vmem>>, vector<128x128xf32>
    %dot_general3A_45 = arith.constant dense<0.000000e+00> : vector<640x128xf32>
    %dot_general3A_46 = tpu.matmul %mul3A_41, %get3A_44, %dot_general3A_45 {dimension_numbers = #tpu.dot_dimension_numbers<[1], [0], [0], [1], [0, 0, 1, 1], [], []>, transpose_lhs_hint = false} : vector<640x128xf32>, vector<128x128xf32>, vector<640x128xf32> -> vector<640x128xf32>
    %get3A_47 = arith.constant 0 : index
    %get3A_48 = arith.constant 0 : index
    %get3A_49 = vector.load %arg9[%get3A_47, %get3A_48] : memref<1x128xf32, #tpu.memory_space<vmem>>, vector<1x128xf32>
    %add3A_50 = vector.broadcast %get3A_49 : vector<1x128xf32> to vector<640x128xf32>
    %add3A_51 = arith.addf %dot_general3A_46, %add3A_50 : vector<640x128xf32>
    %get3A_52 = arith.constant 0 : index
    %get3A_53 = arith.constant 0 : index
    %get3A_54 = vector.load %arg10[%get3A_52, %get3A_53] : memref<1x128xf32, #tpu.memory_space<vmem>>, vector<1x128xf32>
    %get3A_55 = arith.constant 0 : index
    %get3A_56 = arith.constant 0 : index
    %get3A_57 = vector.load %arg11[%get3A_55, %get3A_56] : memref<1x128xf32, #tpu.memory_space<vmem>>, vector<1x128xf32>
    %reduce_sum3A_58 = arith.constant dense<0.000000e+00> : vector<640xf32>
    %reduce_sum3A_59 = vector.multi_reduction <add>, %add3A_51, %reduce_sum3A_58 [1] : vector<640x128xf32> to vector<640xf32>
    %broadcast_in_dim3A_60 = vector.shape_cast %reduce_sum3A_59 : vector<640xf32> to vector<640x1xf32>
    %div3A_61 = arith.constant 1.280000e+02 : f32
    %div3A_62 = vector.broadcast %div3A_61 : f32 to vector<640x1xf32>
    %div3A_63 = arith.divf %broadcast_in_dim3A_60, %div3A_62 : vector<640x1xf32>
    %sub3A_64 = vector.broadcast %div3A_63 : vector<640x1xf32> to vector<640x128xf32>
    %sub3A_65 = arith.subf %add3A_51, %sub3A_64 : vector<640x128xf32>
    %integer_pow3A_66 = arith.mulf %sub3A_65, %sub3A_65 : vector<640x128xf32>
    %reduce_sum3A_67 = arith.constant dense<0.000000e+00> : vector<640xf32>
    %reduce_sum3A_68 = vector.multi_reduction <add>, %integer_pow3A_66, %reduce_sum3A_67 [1] : vector<640x128xf32> to vector<640xf32>
    %broadcast_in_dim3A_69 = vector.shape_cast %reduce_sum3A_68 : vector<640xf32> to vector<640x1xf32>
    %div3A_70 = arith.constant 1.280000e+02 : f32
    %div3A_71 = vector.broadcast %div3A_70 : f32 to vector<640x1xf32>
    %div3A_72 = arith.divf %broadcast_in_dim3A_69, %div3A_71 : vector<640x1xf32>
    %sub3A_73 = vector.broadcast %div3A_63 : vector<640x1xf32> to vector<640x128xf32>
    %sub3A_74 = arith.subf %add3A_51, %sub3A_73 : vector<640x128xf32>
    %add3A_75 = arith.constant 9.99999974E-6 : f32
    %add3A_76 = vector.broadcast %add3A_75 : f32 to vector<640x1xf32>
    %add3A_77 = arith.addf %div3A_72, %add3A_76 : vector<640x1xf32>
    %rsqrt3A_78 = math.rsqrt %add3A_77 : vector<640x1xf32>
    %mul3A_79 = vector.broadcast %rsqrt3A_78 : vector<640x1xf32> to vector<640x128xf32>
    %mul3A_80 = arith.mulf %sub3A_74, %mul3A_79 : vector<640x128xf32>
    %mul3A_81 = vector.broadcast %get3A_54 : vector<1x128xf32> to vector<640x128xf32>
    %mul3A_82 = arith.mulf %mul3A_80, %mul3A_81 : vector<640x128xf32>
    %add3A_83 = vector.broadcast %get3A_57 : vector<1x128xf32> to vector<640x128xf32>
    %add3A_84 = arith.addf %mul3A_82, %add3A_83 : vector<640x128xf32>
    %logistic3A_85 = arith.negf %add3A_84 : vector<640x128xf32>
    %logistic3A_86 = math.exp %logistic3A_85 : vector<640x128xf32>
    %logistic3A_87 = arith.constant 1.000000e+00 : f32
    %logistic3A_88 = vector.broadcast %logistic3A_87 : f32 to vector<640x128xf32>
    %logistic3A_89 = arith.addf %logistic3A_88, %logistic3A_86 : vector<640x128xf32>
    %logistic3A_90 = arith.divf %logistic3A_88, %logistic3A_89 : vector<640x128xf32>
    %mul3A_91 = arith.mulf %add3A_84, %logistic3A_90 : vector<640x128xf32>
    %get3A_92 = arith.constant 0 : index
    %get3A_93 = arith.constant 0 : index
    %get3A_94 = vector.load %arg12[%get3A_92, %get3A_93] : memref<128x384xf32, #tpu.memory_space<vmem>>, vector<128x384xf32>
    %dot_general3A_95 = arith.constant dense<0.000000e+00> : vector<640x384xf32>
    %dot_general3A_96 = tpu.matmul %mul3A_91, %get3A_94, %dot_general3A_95 {dimension_numbers = #tpu.dot_dimension_numbers<[1], [0], [0], [1], [0, 0, 1, 1], [], []>, transpose_lhs_hint = false} : vector<640x128xf32>, vector<128x384xf32>, vector<640x384xf32> -> vector<640x384xf32>
    %get3A_97 = arith.constant 0 : index
    %get3A_98 = arith.constant 0 : index
    %get3A_99 = vector.load %arg13[%get3A_97, %get3A_98] : memref<1x384xf32, #tpu.memory_space<vmem>>, vector<1x384xf32>
    %add3A_100 = vector.broadcast %get3A_99 : vector<1x384xf32> to vector<640x384xf32>
    %add3A_101 = arith.addf %dot_general3A_96, %add3A_100 : vector<640x384xf32>
    %get3A_102 = arith.constant 0 : index
    %get3A_103 = arith.constant 0 : index
    %get3A_104 = vector.load %arg3[%get3A_102, %get3A_103] : memref<640x1xf32, #tpu.memory_space<vmem>>, vector<640x1xf32>
    %div3A_105 = arith.constant 6.000000e+00 : f32
    %div3A_106 = vector.broadcast %div3A_105 : f32 to vector<640x1xf32>
    %div3A_107 = arith.divf %get3A_104, %div3A_106 : vector<640x1xf32>
    %lt3A = arith.constant 1.000000e+00 : f32
    %lt3A_108 = vector.broadcast %lt3A : f32 to vector<640x1xf32>
    %lt3A_109 = arith.cmpf olt, %div3A_107, %lt3A_108 : vector<640x1xf32>
    %integer_pow3A_110 = arith.mulf %div3A_107, %div3A_107 : vector<640x1xf32>
    %integer_pow3A_111 = arith.mulf %integer_pow3A_110, %integer_pow3A_110 : vector<640x1xf32>
    %integer_pow3A_112 = arith.mulf %div3A_107, %integer_pow3A_111 : vector<640x1xf32>
    %mul3A_113 = arith.constant 2.100000e+01 : f32
    %mul3A_114 = vector.broadcast %mul3A_113 : f32 to vector<640x1xf32>
    %mul3A_115 = arith.mulf %mul3A_114, %integer_pow3A_112 : vector<640x1xf32>
    %sub3A_116 = arith.constant 1.000000e+00 : f32
    %sub3A_117 = vector.broadcast %sub3A_116 : f32 to vector<640x1xf32>
    %sub3A_118 = arith.subf %sub3A_117, %mul3A_115 : vector<640x1xf32>
    %integer_pow3A_119 = arith.mulf %div3A_107, %div3A_107 : vector<640x1xf32>
    %integer_pow3A_120 = arith.mulf %integer_pow3A_119, %integer_pow3A_119 : vector<640x1xf32>
    %integer_pow3A_121 = arith.mulf %integer_pow3A_119, %integer_pow3A_120 : vector<640x1xf32>
    %mul3A_122 = arith.constant 3.500000e+01 : f32
    %mul3A_123 = vector.broadcast %mul3A_122 : f32 to vector<640x1xf32>
    %mul3A_124 = arith.mulf %mul3A_123, %integer_pow3A_121 : vector<640x1xf32>
    %add3A_125 = arith.addf %sub3A_118, %mul3A_124 : vector<640x1xf32>
    %integer_pow3A_126 = arith.mulf %div3A_107, %div3A_107 : vector<640x1xf32>
    %integer_pow3A_127 = arith.mulf %div3A_107, %integer_pow3A_126 : vector<640x1xf32>
    %integer_pow3A_128 = arith.mulf %integer_pow3A_126, %integer_pow3A_126 : vector<640x1xf32>
    %integer_pow3A_129 = arith.mulf %integer_pow3A_127, %integer_pow3A_128 : vector<640x1xf32>
    %mul3A_130 = arith.constant 1.500000e+01 : f32
    %mul3A_131 = vector.broadcast %mul3A_130 : f32 to vector<640x1xf32>
    %mul3A_132 = arith.mulf %mul3A_131, %integer_pow3A_129 : vector<640x1xf32>
    %sub3A_133 = arith.subf %add3A_125, %mul3A_132 : vector<640x1xf32>
    %jit3A = arith.constant 0.000000e+00 : f32
    %broadcast_in_dim3A_134 = vector.broadcast %jit3A : f32 to vector<640x1xf32>
    %select_n3A = arith.select %lt3A_109, %sub3A_133, %broadcast_in_dim3A_134 : vector<640x1xi1>, vector<640x1xf32>
    %div3A_135 = arith.constant 1.600000e+01 : f32
    %div3A_136 = vector.broadcast %div3A_135 : f32 to vector<640x1xf32>
    %div3A_137 = arith.divf %select_n3A, %div3A_136 : vector<640x1xf32>
    %get3A_138 = arith.constant 0 : index
    %get3A_139 = arith.constant 0 : index
    %get3A_140 = vector.load %arg2[%get3A_138, %get3A_139] : memref<640x27xf32, #tpu.memory_space<vmem>>, vector<640x27xf32>
    %slice3A = vector.extract_strided_slice %get3A_140 {offsets = [0, 0], sizes = [640, 1], strides = [1, 1]} : vector<640x27xf32> to vector<640x1xf32>
    %slice3A_141 = vector.extract_strided_slice %add3A_101 {offsets = [0, 0], sizes = [640, 128], strides = [1, 1]} : vector<640x384xf32> to vector<640x128xf32>
    %mul3A_142 = vector.broadcast %slice3A : vector<640x1xf32> to vector<640x128xf32>
    %mul3A_143 = arith.mulf %mul3A_142, %slice3A_141 : vector<640x128xf32>
    %slice3A_144 = vector.extract_strided_slice %get3A_140 {offsets = [0, 1], sizes = [640, 1], strides = [1, 1]} : vector<640x27xf32> to vector<640x1xf32>
    %slice3A_145 = vector.extract_strided_slice %add3A_101 {offsets = [0, 128], sizes = [640, 128], strides = [1, 1]} : vector<640x384xf32> to vector<640x128xf32>
    %mul3A_146 = vector.broadcast %slice3A_144 : vector<640x1xf32> to vector<640x128xf32>
    %mul3A_147 = arith.mulf %mul3A_146, %slice3A_145 : vector<640x128xf32>
    %add3A_148 = arith.addf %mul3A_143, %mul3A_147 : vector<640x128xf32>
    %slice3A_149 = vector.extract_strided_slice %get3A_140 {offsets = [0, 2], sizes = [640, 1], strides = [1, 1]} : vector<640x27xf32> to vector<640x1xf32>
    %slice3A_150 = vector.extract_strided_slice %add3A_101 {offsets = [0, 256], sizes = [640, 128], strides = [1, 1]} : vector<640x384xf32> to vector<640x128xf32>
    %mul3A_151 = vector.broadcast %slice3A_149 : vector<640x1xf32> to vector<640x128xf32>
    %mul3A_152 = arith.mulf %mul3A_151, %slice3A_150 : vector<640x128xf32>
    %add3A_153 = arith.addf %add3A_148, %mul3A_152 : vector<640x128xf32>
    %mul3A_154 = vector.broadcast %div3A_137 : vector<640x1xf32> to vector<640x128xf32>
    %mul3A_155 = arith.mulf %add3A_153, %mul3A_154 : vector<640x128xf32>
    %swap3A = arith.constant 0 : index
    %swap3A_156 = arith.constant 0 : index
    %swap3A_157 = vector.load %arg14[%swap3A, %swap3A_156] : memref<640x1152xf32, #tpu.memory_space<vmem>>, vector<640x128xf32>
    tpu.vector_store %arg14[%swap3A, %swap3A_156], %mul3A_155 {strides = array<i32>} : memref<640x1152xf32, #tpu.memory_space<vmem>>, vector<640x128xf32>,
    %slice3A_158 = vector.extract_strided_slice %get3A_140 {offsets = [0, 3], sizes = [640, 1], strides = [1, 1]} : vector<640x27xf32> to vector<640x1xf32>
    %slice3A_159 = vector.extract_strided_slice %add3A_101 {offsets = [0, 0], sizes = [640, 128], strides = [1, 1]} : vector<640x384xf32> to vector<640x128xf32>
    %mul3A_160 = vector.broadcast %slice3A_158 : vector<640x1xf32> to vector<640x128xf32>
    %mul3A_161 = arith.mulf %mul3A_160, %slice3A_159 : vector<640x128xf32>
    %slice3A_162 = vector.extract_strided_slice %get3A_140 {offsets = [0, 4], sizes = [640, 1], strides = [1, 1]} : vector<640x27xf32> to vector<640x1xf32>
    %slice3A_163 = vector.extract_strided_slice %add3A_101 {offsets = [0, 128], sizes = [640, 128], strides = [1, 1]} : vector<640x384xf32> to vector<640x128xf32>
    %mul3A_164 = vector.broadcast %slice3A_162 : vector<640x1xf32> to vector<640x128xf32>
    %mul3A_165 = arith.mulf %mul3A_164, %slice3A_163 : vector<640x128xf32>
    %add3A_166 = arith.addf %mul3A_161, %mul3A_165 : vector<640x128xf32>
    %slice3A_167 = vector.extract_strided_slice %get3A_140 {offsets = [0, 5], sizes = [640, 1], strides = [1, 1]} : vector<640x27xf32> to vector<640x1xf32>
    %slice3A_168 = vector.extract_strided_slice %add3A_101 {offsets = [0, 256], sizes = [640, 128], strides = [1, 1]} : vector<640x384xf32> to vector<640x128xf32>
    %mul3A_169 = vector.broadcast %slice3A_167 : vector<640x1xf32> to vector<640x128xf32>
    %mul3A_170 = arith.mulf %mul3A_169, %slice3A_168 : vector<640x128xf32>
    %add3A_171 = arith.addf %add3A_166, %mul3A_170 : vector<640x128xf32>
    %mul3A_172 = vector.broadcast %div3A_137 : vector<640x1xf32> to vector<640x128xf32>
    %mul3A_173 = arith.mulf %add3A_171, %mul3A_172 : vector<640x128xf32>
    %swap3A_174 = arith.constant 0 : index
    %swap3A_175 = arith.constant 128 : index
    %swap3A_176 = vector.load %arg14[%swap3A_174, %swap3A_175] : memref<640x1152xf32, #tpu.memory_space<vmem>>, vector<640x128xf32>
    tpu.vector_store %arg14[%swap3A_174, %swap3A_175], %mul3A_173 {strides = array<i32>} : memref<640x1152xf32, #tpu.memory_space<vmem>>, vector<640x128xf32>,
    %slice3A_177 = vector.extract_strided_slice %get3A_140 {offsets = [0, 6], sizes = [640, 1], strides = [1, 1]} : vector<640x27xf32> to vector<640x1xf32>
    %slice3A_178 = vector.extract_strided_slice %add3A_101 {offsets = [0, 0], sizes = [640, 128], strides = [1, 1]} : vector<640x384xf32> to vector<640x128xf32>
    %mul3A_179 = vector.broadcast %slice3A_177 : vector<640x1xf32> to vector<640x128xf32>
    %mul3A_180 = arith.mulf %mul3A_179, %slice3A_178 : vector<640x128xf32>
    %slice3A_181 = vector.extract_strided_slice %get3A_140 {offsets = [0, 7], sizes = [640, 1], strides = [1, 1]} : vector<640x27xf32> to vector<640x1xf32>
    %slice3A_182 = vector.extract_strided_slice %add3A_101 {offsets = [0, 128], sizes = [640, 128], strides = [1, 1]} : vector<640x384xf32> to vector<640x128xf32>
    %mul3A_183 = vector.broadcast %slice3A_181 : vector<640x1xf32> to vector<640x128xf32>
    %mul3A_184 = arith.mulf %mul3A_183, %slice3A_182 : vector<640x128xf32>
    %add3A_185 = arith.addf %mul3A_180, %mul3A_184 : vector<640x128xf32>
    %slice3A_186 = vector.extract_strided_slice %get3A_140 {offsets = [0, 8], sizes = [640, 1], strides = [1, 1]} : vector<640x27xf32> to vector<640x1xf32>
    %slice3A_187 = vector.extract_strided_slice %add3A_101 {offsets = [0, 256], sizes = [640, 128], strides = [1, 1]} : vector<640x384xf32> to vector<640x128xf32>
    %mul3A_188 = vector.broadcast %slice3A_186 : vector<640x1xf32> to vector<640x128xf32>
    %mul3A_189 = arith.mulf %mul3A_188, %slice3A_187 : vector<640x128xf32>
    %add3A_190 = arith.addf %add3A_185, %mul3A_189 : vector<640x128xf32>
    %mul3A_191 = vector.broadcast %div3A_137 : vector<640x1xf32> to vector<640x128xf32>
    %mul3A_192 = arith.mulf %add3A_190, %mul3A_191 : vector<640x128xf32>
    %swap3A_193 = arith.constant 0 : index
    %swap3A_194 = arith.constant 256 : index
    %swap3A_195 = vector.load %arg14[%swap3A_193, %swap3A_194] : memref<640x1152xf32, #tpu.memory_space<vmem>>, vector<640x128xf32>
    tpu.vector_store %arg14[%swap3A_193, %swap3A_194], %mul3A_192 {strides = array<i32>} : memref<640x1152xf32, #tpu.memory_space<vmem>>, vector<640x128xf32>,
    %slice3A_196 = vector.extract_strided_slice %get3A_140 {offsets = [0, 9], sizes = [640, 1], strides = [1, 1]} : vector<640x27xf32> to vector<640x1xf32>
    %slice3A_197 = vector.extract_strided_slice %add3A_101 {offsets = [0, 0], sizes = [640, 128], strides = [1, 1]} : vector<640x384xf32> to vector<640x128xf32>
    %mul3A_198 = vector.broadcast %slice3A_196 : vector<640x1xf32> to vector<640x128xf32>
    %mul3A_199 = arith.mulf %mul3A_198, %slice3A_197 : vector<640x128xf32>
    %slice3A_200 = vector.extract_strided_slice %get3A_140 {offsets = [0, 10], sizes = [640, 1], strides = [1, 1]} : vector<640x27xf32> to vector<640x1xf32>
    %slice3A_201 = vector.extract_strided_slice %add3A_101 {offsets = [0, 128], sizes = [640, 128], strides = [1, 1]} : vector<640x384xf32> to vector<640x128xf32>
    %mul3A_202 = vector.broadcast %slice3A_200 : vector<640x1xf32> to vector<640x128xf32>
    %mul3A_203 = arith.mulf %mul3A_202, %slice3A_201 : vector<640x128xf32>
    %add3A_204 = arith.addf %mul3A_199, %mul3A_203 : vector<640x128xf32>
    %slice3A_205 = vector.extract_strided_slice %get3A_140 {offsets = [0, 11], sizes = [640, 1], strides = [1, 1]} : vector<640x27xf32> to vector<640x1xf32>
    %slice3A_206 = vector.extract_strided_slice %add3A_101 {offsets = [0, 256], sizes = [640, 128], strides = [1, 1]} : vector<640x384xf32> to vector<640x128xf32>
    %mul3A_207 = vector.broadcast %slice3A_205 : vector<640x1xf32> to vector<640x128xf32>
    %mul3A_208 = arith.mulf %mul3A_207, %slice3A_206 : vector<640x128xf32>
    %add3A_209 = arith.addf %add3A_204, %mul3A_208 : vector<640x128xf32>
    %mul3A_210 = vector.broadcast %div3A_137 : vector<640x1xf32> to vector<640x128xf32>
    %mul3A_211 = arith.mulf %add3A_209, %mul3A_210 : vector<640x128xf32>
    %swap3A_212 = arith.constant 0 : index
    %swap3A_213 = arith.constant 384 : index
    %swap3A_214 = vector.load %arg14[%swap3A_212, %swap3A_213] : memref<640x1152xf32, #tpu.memory_space<vmem>>, vector<640x128xf32>
    tpu.vector_store %arg14[%swap3A_212, %swap3A_213], %mul3A_211 {strides = array<i32>} : memref<640x1152xf32, #tpu.memory_space<vmem>>, vector<640x128xf32>,
    %slice3A_215 = vector.extract_strided_slice %get3A_140 {offsets = [0, 12], sizes = [640, 1], strides = [1, 1]} : vector<640x27xf32> to vector<640x1xf32>
    %slice3A_216 = vector.extract_strided_slice %add3A_101 {offsets = [0, 0], sizes = [640, 128], strides = [1, 1]} : vector<640x384xf32> to vector<640x128xf32>
    %mul3A_217 = vector.broadcast %slice3A_215 : vector<640x1xf32> to vector<640x128xf32>
    %mul3A_218 = arith.mulf %mul3A_217, %slice3A_216 : vector<640x128xf32>
    %slice3A_219 = vector.extract_strided_slice %get3A_140 {offsets = [0, 13], sizes = [640, 1], strides = [1, 1]} : vector<640x27xf32> to vector<640x1xf32>
    %slice3A_220 = vector.extract_strided_slice %add3A_101 {offsets = [0, 128], sizes = [640, 128], strides = [1, 1]} : vector<640x384xf32> to vector<640x128xf32>
    %mul3A_221 = vector.broadcast %slice3A_219 : vector<640x1xf32> to vector<640x128xf32>
    %mul3A_222 = arith.mulf %mul3A_221, %slice3A_220 : vector<640x128xf32>
    %add3A_223 = arith.addf %mul3A_218, %mul3A_222 : vector<640x128xf32>
    %slice3A_224 = vector.extract_strided_slice %get3A_140 {offsets = [0, 14], sizes = [640, 1], strides = [1, 1]} : vector<640x27xf32> to vector<640x1xf32>
    %slice3A_225 = vector.extract_strided_slice %add3A_101 {offsets = [0, 256], sizes = [640, 128], strides = [1, 1]} : vector<640x384xf32> to vector<640x128xf32>
    %mul3A_226 = vector.broadcast %slice3A_224 : vector<640x1xf32> to vector<640x128xf32>
    %mul3A_227 = arith.mulf %mul3A_226, %slice3A_225 : vector<640x128xf32>
    %add3A_228 = arith.addf %add3A_223, %mul3A_227 : vector<640x128xf32>
    %mul3A_229 = vector.broadcast %div3A_137 : vector<640x1xf32> to vector<640x128xf32>
    %mul3A_230 = arith.mulf %add3A_228, %mul3A_229 : vector<640x128xf32>
    %swap3A_231 = arith.constant 0 : index
    %swap3A_232 = arith.constant 512 : index
    %swap3A_233 = vector.load %arg14[%swap3A_231, %swap3A_232] : memref<640x1152xf32, #tpu.memory_space<vmem>>, vector<640x128xf32>
    tpu.vector_store %arg14[%swap3A_231, %swap3A_232], %mul3A_230 {strides = array<i32>} : memref<640x1152xf32, #tpu.memory_space<vmem>>, vector<640x128xf32>,
    %slice3A_234 = vector.extract_strided_slice %get3A_140 {offsets = [0, 15], sizes = [640, 1], strides = [1, 1]} : vector<640x27xf32> to vector<640x1xf32>
    %slice3A_235 = vector.extract_strided_slice %add3A_101 {offsets = [0, 0], sizes = [640, 128], strides = [1, 1]} : vector<640x384xf32> to vector<640x128xf32>
    %mul3A_236 = vector.broadcast %slice3A_234 : vector<640x1xf32> to vector<640x128xf32>
    %mul3A_237 = arith.mulf %mul3A_236, %slice3A_235 : vector<640x128xf32>
    %slice3A_238 = vector.extract_strided_slice %get3A_140 {offsets = [0, 16], sizes = [640, 1], strides = [1, 1]} : vector<640x27xf32> to vector<640x1xf32>
    %slice3A_239 = vector.extract_strided_slice %add3A_101 {offsets = [0, 128], sizes = [640, 128], strides = [1, 1]} : vector<640x384xf32> to vector<640x128xf32>
    %mul3A_240 = vector.broadcast %slice3A_238 : vector<640x1xf32> to vector<640x128xf32>
    %mul3A_241 = arith.mulf %mul3A_240, %slice3A_239 : vector<640x128xf32>
    %add3A_242 = arith.addf %mul3A_237, %mul3A_241 : vector<640x128xf32>
    %slice3A_243 = vector.extract_strided_slice %get3A_140 {offsets = [0, 17], sizes = [640, 1], strides = [1, 1]} : vector<640x27xf32> to vector<640x1xf32>
    %slice3A_244 = vector.extract_strided_slice %add3A_101 {offsets = [0, 256], sizes = [640, 128], strides = [1, 1]} : vector<640x384xf32> to vector<640x128xf32>
    %mul3A_245 = vector.broadcast %slice3A_243 : vector<640x1xf32> to vector<640x128xf32>
    %mul3A_246 = arith.mulf %mul3A_245, %slice3A_244 : vector<640x128xf32>
    %add3A_247 = arith.addf %add3A_242, %mul3A_246 : vector<640x128xf32>
    %mul3A_248 = vector.broadcast %div3A_137 : vector<640x1xf32> to vector<640x128xf32>
    %mul3A_249 = arith.mulf %add3A_247, %mul3A_248 : vector<640x128xf32>
    %swap3A_250 = arith.constant 0 : index
    %swap3A_251 = arith.constant 640 : index
    %swap3A_252 = vector.load %arg14[%swap3A_250, %swap3A_251] : memref<640x1152xf32, #tpu.memory_space<vmem>>, vector<640x128xf32>
    tpu.vector_store %arg14[%swap3A_250, %swap3A_251], %mul3A_249 {strides = array<i32>} : memref<640x1152xf32, #tpu.memory_space<vmem>>, vector<640x128xf32>,
    %slice3A_253 = vector.extract_strided_slice %get3A_140 {offsets = [0, 18], sizes = [640, 1], strides = [1, 1]} : vector<640x27xf32> to vector<640x1xf32>
    %slice3A_254 = vector.extract_strided_slice %add3A_101 {offsets = [0, 0], sizes = [640, 128], strides = [1, 1]} : vector<640x384xf32> to vector<640x128xf32>
    %mul3A_255 = vector.broadcast %slice3A_253 : vector<640x1xf32> to vector<640x128xf32>
    %mul3A_256 = arith.mulf %mul3A_255, %slice3A_254 : vector<640x128xf32>
    %slice3A_257 = vector.extract_strided_slice %get3A_140 {offsets = [0, 19], sizes = [640, 1], strides = [1, 1]} : vector<640x27xf32> to vector<640x1xf32>
    %slice3A_258 = vector.extract_strided_slice %add3A_101 {offsets = [0, 128], sizes = [640, 128], strides = [1, 1]} : vector<640x384xf32> to vector<640x128xf32>
    %mul3A_259 = vector.broadcast %slice3A_257 : vector<640x1xf32> to vector<640x128xf32>
    %mul3A_260 = arith.mulf %mul3A_259, %slice3A_258 : vector<640x128xf32>
    %add3A_261 = arith.addf %mul3A_256, %mul3A_260 : vector<640x128xf32>
    %slice3A_262 = vector.extract_strided_slice %get3A_140 {offsets = [0, 20], sizes = [640, 1], strides = [1, 1]} : vector<640x27xf32> to vector<640x1xf32>
    %slice3A_263 = vector.extract_strided_slice %add3A_101 {offsets = [0, 256], sizes = [640, 128], strides = [1, 1]} : vector<640x384xf32> to vector<640x128xf32>
    %mul3A_264 = vector.broadcast %slice3A_262 : vector<640x1xf32> to vector<640x128xf32>
    %mul3A_265 = arith.mulf %mul3A_264, %slice3A_263 : vector<640x128xf32>
    %add3A_266 = arith.addf %add3A_261, %mul3A_265 : vector<640x128xf32>
    %mul3A_267 = vector.broadcast %div3A_137 : vector<640x1xf32> to vector<640x128xf32>
    %mul3A_268 = arith.mulf %add3A_266, %mul3A_267 : vector<640x128xf32>
    %swap3A_269 = arith.constant 0 : index
    %swap3A_270 = arith.constant 768 : index
    %swap3A_271 = vector.load %arg14[%swap3A_269, %swap3A_270] : memref<640x1152xf32, #tpu.memory_space<vmem>>, vector<640x128xf32>
    tpu.vector_store %arg14[%swap3A_269, %swap3A_270], %mul3A_268 {strides = array<i32>} : memref<640x1152xf32, #tpu.memory_space<vmem>>, vector<640x128xf32>,
    %slice3A_272 = vector.extract_strided_slice %get3A_140 {offsets = [0, 21], sizes = [640, 1], strides = [1, 1]} : vector<640x27xf32> to vector<640x1xf32>
    %slice3A_273 = vector.extract_strided_slice %add3A_101 {offsets = [0, 0], sizes = [640, 128], strides = [1, 1]} : vector<640x384xf32> to vector<640x128xf32>
    %mul3A_274 = vector.broadcast %slice3A_272 : vector<640x1xf32> to vector<640x128xf32>
    %mul3A_275 = arith.mulf %mul3A_274, %slice3A_273 : vector<640x128xf32>
    %slice3A_276 = vector.extract_strided_slice %get3A_140 {offsets = [0, 22], sizes = [640, 1], strides = [1, 1]} : vector<640x27xf32> to vector<640x1xf32>
    %slice3A_277 = vector.extract_strided_slice %add3A_101 {offsets = [0, 128], sizes = [640, 128], strides = [1, 1]} : vector<640x384xf32> to vector<640x128xf32>
    %mul3A_278 = vector.broadcast %slice3A_276 : vector<640x1xf32> to vector<640x128xf32>
    %mul3A_279 = arith.mulf %mul3A_278, %slice3A_277 : vector<640x128xf32>
    %add3A_280 = arith.addf %mul3A_275, %mul3A_279 : vector<640x128xf32>
    %slice3A_281 = vector.extract_strided_slice %get3A_140 {offsets = [0, 23], sizes = [640, 1], strides = [1, 1]} : vector<640x27xf32> to vector<640x1xf32>
    %slice3A_282 = vector.extract_strided_slice %add3A_101 {offsets = [0, 256], sizes = [640, 128], strides = [1, 1]} : vector<640x384xf32> to vector<640x128xf32>
    %mul3A_283 = vector.broadcast %slice3A_281 : vector<640x1xf32> to vector<640x128xf32>
    %mul3A_284 = arith.mulf %mul3A_283, %slice3A_282 : vector<640x128xf32>
    %add3A_285 = arith.addf %add3A_280, %mul3A_284 : vector<640x128xf32>
    %mul3A_286 = vector.broadcast %div3A_137 : vector<640x1xf32> to vector<640x128xf32>
    %mul3A_287 = arith.mulf %add3A_285, %mul3A_286 : vector<640x128xf32>
    %swap3A_288 = arith.constant 0 : index
    %swap3A_289 = arith.constant 896 : index
    %swap3A_290 = vector.load %arg14[%swap3A_288, %swap3A_289] : memref<640x1152xf32, #tpu.memory_space<vmem>>, vector<640x128xf32>
    tpu.vector_store %arg14[%swap3A_288, %swap3A_289], %mul3A_287 {strides = array<i32>} : memref<640x1152xf32, #tpu.memory_space<vmem>>, vector<640x128xf32>,
    %slice3A_291 = vector.extract_strided_slice %get3A_140 {offsets = [0, 24], sizes = [640, 1], strides = [1, 1]} : vector<640x27xf32> to vector<640x1xf32>
    %slice3A_292 = vector.extract_strided_slice %add3A_101 {offsets = [0, 0], sizes = [640, 128], strides = [1, 1]} : vector<640x384xf32> to vector<640x128xf32>
    %mul3A_293 = vector.broadcast %slice3A_291 : vector<640x1xf32> to vector<640x128xf32>
    %mul3A_294 = arith.mulf %mul3A_293, %slice3A_292 : vector<640x128xf32>
    %slice3A_295 = vector.extract_strided_slice %get3A_140 {offsets = [0, 25], sizes = [640, 1], strides = [1, 1]} : vector<640x27xf32> to vector<640x1xf32>
    %slice3A_296 = vector.extract_strided_slice %add3A_101 {offsets = [0, 128], sizes = [640, 128], strides = [1, 1]} : vector<640x384xf32> to vector<640x128xf32>
    %mul3A_297 = vector.broadcast %slice3A_295 : vector<640x1xf32> to vector<640x128xf32>
    %mul3A_298 = arith.mulf %mul3A_297, %slice3A_296 : vector<640x128xf32>
    %add3A_299 = arith.addf %mul3A_294, %mul3A_298 : vector<640x128xf32>
    %slice3A_300 = vector.extract_strided_slice %get3A_140 {offsets = [0, 26], sizes = [640, 1], strides = [1, 1]} : vector<640x27xf32> to vector<640x1xf32>
    %slice3A_301 = vector.extract_strided_slice %add3A_101 {offsets = [0, 256], sizes = [640, 128], strides = [1, 1]} : vector<640x384xf32> to vector<640x128xf32>
    %mul3A_302 = vector.broadcast %slice3A_300 : vector<640x1xf32> to vector<640x128xf32>
    %mul3A_303 = arith.mulf %mul3A_302, %slice3A_301 : vector<640x128xf32>
    %add3A_304 = arith.addf %add3A_299, %mul3A_303 : vector<640x128xf32>
    %mul3A_305 = vector.broadcast %div3A_137 : vector<640x1xf32> to vector<640x128xf32>
    %mul3A_306 = arith.mulf %add3A_304, %mul3A_305 : vector<640x128xf32>
    %swap3A_307 = arith.constant 0 : index
    %swap3A_308 = arith.constant 1024 : index
    %swap3A_309 = vector.load %arg14[%swap3A_307, %swap3A_308] : memref<640x1152xf32, #tpu.memory_space<vmem>>, vector<640x128xf32>
    tpu.vector_store %arg14[%swap3A_307, %swap3A_308], %mul3A_306 {strides = array<i32>} : memref<640x1152xf32, #tpu.memory_space<vmem>>, vector<640x128xf32>,
    return
  }
  func.func @transform_0(%arg0: i32) -> (i32, i32) {
    %c0_i32 = arith.constant 0 : i32
    %c0_i32_0 = arith.constant 0 : i32
    return %arg0, %c0_i32 : i32, i32
  }
  func.func @transform_1(%arg0: i32) -> (i32, i32) {
    %c0_i32 = arith.constant 0 : i32
    %c0_i32_0 = arith.constant 0 : i32
    return %arg0, %c0_i32 : i32, i32
  }
  func.func @transform_2(%arg0: i32) -> (i32, i32) {
    %c0_i32 = arith.constant 0 : i32
    %c0_i32_0 = arith.constant 0 : i32
    return %arg0, %c0_i32 : i32, i32
  }
  func.func @transform_3(%arg0: i32) -> (i32, i32) {
    %c0_i32 = arith.constant 0 : i32
    %c0_i32_0 = arith.constant 0 : i32
    %c0_i32_1 = arith.constant 0 : i32
    return %c0_i32, %c0_i32_0 : i32, i32
  }
  func.func @transform_4(%arg0: i32) -> (i32, i32) {
    %c0_i32 = arith.constant 0 : i32
    %c0_i32_0 = arith.constant 0 : i32
    %c0_i32_1 = arith.constant 0 : i32
    return %c0_i32, %c0_i32_0 : i32, i32
  }
  func.func @transform_5(%arg0: i32) -> (i32, i32) {
    %c0_i32 = arith.constant 0 : i32
    %c0_i32_0 = arith.constant 0 : i32
    %c0_i32_1 = arith.constant 0 : i32
    return %c0_i32, %c0_i32_0 : i32, i32
  }
  func.func @transform_6(%arg0: i32) -> (i32, i32) {
    %c0_i32 = arith.constant 0 : i32
    %c0_i32_0 = arith.constant 0 : i32
    %c0_i32_1 = arith.constant 0 : i32
    return %c0_i32, %c0_i32_0 : i32, i32
  }
  func.func @transform_7(%arg0: i32) -> (i32, i32) {
    %c0_i32 = arith.constant 0 : i32
    %c0_i32_0 = arith.constant 0 : i32
    %c0_i32_1 = arith.constant 0 : i32
    return %c0_i32, %c0_i32_0 : i32, i32
  }
  func.func @transform_8(%arg0: i32) -> (i32, i32) {
    %c0_i32 = arith.constant 0 : i32
    %c0_i32_0 = arith.constant 0 : i32
    %c0_i32_1 = arith.constant 0 : i32
    return %c0_i32, %c0_i32_0 : i32, i32
  }
  func.func @transform_9(%arg0: i32) -> (i32, i32) {
    %c0_i32 = arith.constant 0 : i32
    %c0_i32_0 = arith.constant 0 : i32
    %c0_i32_1 = arith.constant 0 : i32
    return %c0_i32, %c0_i32_0 : i32, i32
  }
  func.func @transform_10(%arg0: i32) -> (i32, i32) {
    %c0_i32 = arith.constant 0 : i32
    %c0_i32_0 = arith.constant 0 : i32
    %c0_i32_1 = arith.constant 0 : i32
    return %c0_i32, %c0_i32_0 : i32, i32
  }
  func.func @transform_11(%arg0: i32) -> (i32, i32) {
    %c0_i32 = arith.constant 0 : i32
    %c0_i32_0 = arith.constant 0 : i32
    %c0_i32_1 = arith.constant 0 : i32
    return %c0_i32, %c0_i32_0 : i32, i32
  }
  func.func @transform_12(%arg0: i32) -> (i32, i32) {
    %c0_i32 = arith.constant 0 : i32
    %c0_i32_0 = arith.constant 0 : i32
    %c0_i32_1 = arith.constant 0 : i32
    return %c0_i32, %c0_i32_0 : i32, i32
  }
  func.func @transform_13(%arg0: i32) -> (i32, i32) {
    %c0_i32 = arith.constant 0 : i32
    %c0_i32_0 = arith.constant 0 : i32
    return %arg0, %c0_i32 : i32, i32
  }
}

</mosaic_0001>

<sc_bundles>
// kernel: sparse-core-data-format-call.cloned.1.call-start
scs
called_computation_lowered:
.L_overlay_start_0:
0x0: {  	s1 =	sld [smem:$0x3FD9]  }
0x1: {  	s2 =	sld [smem:$0x3FFE];
	_ =	sdelay $0x1  }
0x2: {  	s3 =	srdreg.scid  }
0x3: {  	s0 =	sand.u32 $0x1, s3  }
0x4: {  	s17 =	sshll.u32 s0, $0xA;
	s1 =	sadd.s32 s2, s1  }
0x5: {  	s1 =	sadd.s32 s1, s17  }
0x6: {  	[smem:$0x3FB9] =	sst s1  }
0x7: {  	_ = 	snop  }
0x8: {  	(tm) =	ssettm $0x1  }
0x9: {  	s18 =	sld [smem:$0x3FFB];
	_ =	sdelay $0x3  }
0xa: {  	_ =	strace s18  }
0xb: {  	s1 =	sld [smem:$0x3FFC];
	_ =	sdelay $0x3  }
0xc: {  	_ =	strace s1  }
0xd: {  	s1 =	sld [smem:$0x3FFD];
	_ =	sdelay $0x3  }
0xe: {  	_ =	strace s1  }
0xf: {  	_ =	strace $0x8FFFFFFF  }
0x10: {  	s19 =	sld [smem:$0x3FDB];
	_ =	sdelay $0x1  }
0x11: {  	s20 =	simm.s32 $_scs_section_size  }
0x12: {  	s4 =	simm.s32 $_size__tile_overlayer_lowered;
	s5 =	simm.s32 $_tile_overlayer_lowered  }
0x13: {  	s23 =	simm.s32 $0x1BFF;
	s22 =	sshll.u32 s5, $0x1;
	s1 =	sadd.s32 s20, s19  }
0x14: {  	s6 =	simm.s32 $0x0;
	s21 =	sshll.u32 s4, $0x1;
	s4 =	sadd.s32 s22, s1  }
0x15: {  	[timem:s6], [sflag:s23] =	dma.local [hbm:s4], s21  }
0x16: {  	_ =	swait.ge [sflag:s23], s21  }
0x17: {  	s2 =	ssub.s32 $0x0, s21;
	[sflag:s23] =	ssyncset.done $0x0  }
0x18: {  	[sflag:s23] =	ssyncadd.s32 s2;
	_ =	sdelay $0x1  }
0x19: {  	s24 =	simm.s32 $0x1B8B  }
0x1a: {  	_ =	swait.ge [sflag:s24], $0x1  }
0x1b: {  	[sflag:s24] =	ssyncset.done $0x0  }
0x1c: {  	s26 =	simm.s32 $0x1B8E;
	s25 =	sld [smem:$0x3FFE];
	[sflag:s24] =	ssyncadd.s32 $0xFFFFFFFF  }
0x1d: {  	s27 =	simm.s32 $execute0_lowered;
	[smem:$0x3FD2] =	sst s26  }
0x1e: {  	s4 =	sshll.u32 s27, $0x1;
	_ =	strace $0x80000046;
	[dreg:$0x1] =	wrdreg $0xFFFFFFFF  }
0x1f: {  	s28 =	simm.s32 $_size_execute0_lowered;
	s1 =	sadd.s32 s1, s4;
	[dreg:$0x0] =	wrdreg $0x0  }
0x20: {  	s4 =	sshll.u32 s28, $0x1;
	[dreg:$0x2] =	wrdreg s1  }
0x21: {  	[dreg:$0x3] =	wrdreg s4  }
0x22: {  	[dreg:$0x4] =	wrdreg $0xC0  }
0x23: {  	_ =	task [dreg:s6], $0x5FFFF  }
0x24: {  	[dreg:$0x1] =	wrdreg $0xFFFFFFFF  }
0x25: {  	[dreg:$0x0] =	wrdreg $0x60  }
0x26: {  	[dreg:$0x2] =	wrdreg s25  }
0x27: {  	[dreg:$0x3] =	wrdreg $0x9  }
0x28: {  	_ =	task.clear_ibuf [dreg:s6], $0x4FFFF;
	_ =	strace $0x90000046  }
0x29: {  	s29 =	simm.s32 $0x9;
	_ =	strace $0x80000048  }
0x2a: {  	_ =	swait.ge [sflag:s29], $0x1  }
0x2b: {  	[sflag:s29] =	ssyncadd.s32 $0xFFFFFFFF  }
0x2c: {  	_ =	strace $0x90000048  }
0x2d: {  	_ =	sfence  }
0x2e: {  	s30 =	sld [smem:$0x0];
	_ =	sdelay $0x2  }
0x2f: {  	s31 =	sshll.u32 s3, $0xD;
	s3 =	sshrl.u32 s3, $0x2  }
0x30: {  	s2 =	sand.u32 $0x4000, s31;
	s1 =	sadd.s32 s3, s30  }
0x31: {  	s0 =	sor.u32 s2, s0;
	s1 =	sshll.u32 s1, $0x11  }
0x32: {  	s0 =	sor.u32 s1, s0  }
0x33: {  	s0 =	sadd.s32 $0x8F2B, s0  }
0x34: {  	[sflag:s0] =	ssyncadd.remote.s32 $0x1  }
0x35: {  	_ =	sfence.sel $0xFFFF  }
0x36: {  	[dreg:$0x0] =	wrdreg $0xFFFFFFFF;
	(pc) =	sbr.abs _section_cstart, $3  }
0x37: {  	[dreg:$0x1] =	wrdreg $0xFFFFFFFF  }
0x38: {  	_ =	task.clear_ibuf [dreg:s6], $0x2FFFF;
	_ =	strace $0x9FFFFFFF  }
0x39: {  	(tm) =	ssettm $0x7FFFFFFF  }
tec
execute0_lowered:
.L_overlay_start_1:
0x0: {  	(tag) =	ssettag $0x1  }
0x1: {  	s0 =	srdreg.scid  }
0x2: {  	s1 =	sshll.u32 s0, $0x4  }
0x3: {  	s0 =	stileid.u32;
	s1 =	sand.u32 $0x10, s1  }
0x4: {  	s6 =	rddreg [dreg:$0x0];
	s1 =	sor.u32 s0, s1  }
0x5: {  	s4 =	simm.s32 $0x1;
	s7 =	simm.s32 $0x2;
	s2 =	sshll.u32 s1, $0x7  }
0x6: {  	s14 =	simm.s32 $0x0;
	s12 =	simm.s32 $0x0;
	s3 =	ssub.s32 $0x27100, s2  }
0x7: {  	s13 =	simm.s32 $0x0;
	s9 =	simm.s32 $0x0;
	s31 =	sand.u32 $0xF80, s3  }
0x8: {  	s10 =	simm.s32 $0x0;
	s11 =	simm.s32 $0x0;
	p0 =	sne.s32 s31, $0x0  }
.Ltmp0:
0x9: {  	s3 =	sshrl.u32 s3, $0xC;
	s4 =	simm.s32 @!p0 $0x0;
	(pc) =	sbr.rel .LBB1_1-.Ltmp0, $4  }
0xa: {  	s1 =	rddreg [dreg:$0x1];
	_ =	strace $0x80000047;
	s5 =	sadd.s32 s4, s3  }
0xb: {  	s8 =	smov.u32 s2;
	s4 =	simm.s32 $0x1;
	s5 =	smul.u32 $0x9, s5  }
0xc: {  	p0 =	por $0x0, $0x0;
	s3 =	sadd.s32 $0x1B78600, s6;
	[sflag:s4] =	ssyncpa.u1 $0x0  }
0xd: {  	s6 =	sadd.s32 $0x1200, s6;
	[sflag:s7] =	ssyncpa.u1 $0x0;
	s7 =	sadd.s32 $0x1, s5  }
.LBB1_4:
0xe: {  	s14 =	sshll.u32 s14, $0x7;
	s20 =	sshll.u32 s12, $0x3  }
0xf: {  	v5 =	vld [tilespmem:s18+$0xFFFFFFD0];
	[tilespmem:s17+$0x2040 ss:$0x81] =	vst.msk $0xffff, v4;
	s21 =	sand.u32 $0xFFFFFC00, s14;
	s20 =	sand.u32 $0xFFFFFC00, s20  }
0x10: {  	v58 =	vld [tilespmem:s18+$0xFFFFFFE0];
	[tilespmem:s17+$0x2850 ss:$0x81] =	vst.msk $0xffff, v2;
	s14 =	sand.u32 $0x380, s14;
	s20 =	sadd.s32 s20, s21  }
0x11: {  	s19 =	sshra.s32 s19, $0x2;
	v59 =	vld [tilespmem:s18+$0xFFFFFFF0];
	[tilespmem:s17+$0x3060 ss:$0x81] =	vst.msk $0xffff, v3;
	s14 =	sor.u32 s14, s20  }
0x12: {  	v60 =	vld [tilespmem:s18+$0x0];
	[tilespmem:s17+$0x0 ss:$0x81] =	vst.msk $0xffff, v0;
	s16 =	sadd.s32 s19, s16;
	s14 =	sshrl.u32 s14, $0x7  }
0x13: {  	v61 =	vld [tilespmem:s18+$0x10];
	[tilespmem:s16+$0x3870 ss:$0x81] =	vst.msk $0xffff, v1;
	s28 =	smulhi.u32 $0x1A36E2F, s14  }
0x14: {  	v62 =	vld [tilespmem:s18+$0x20];
	[tilespmem:s16+$0x810 ss:$0x81] =	vst.msk $0xffff, v5  }
0x15: {  	v63 =	vld [tilespmem:s18+$0xFFFFFFC0];
	s13 =	smul.u32 $0x271000, s13;
	[tilespmem:s16+$0x1020 ss:$0x81] =	vst.msk $0xffff, v58;
	s17 =	sshrl.u32 s28, $0xA  }
0x16: {  	[tilespmem:s16+$0x1830 ss:$0x81] =	vst.msk $0xffff, v59;
	s17 =	smul.u32 $0x27100, s17  }
0x17: {  	s29 =	sshrl.u32 s12, $0x3;
	[tilespmem:s16+$0x2040 ss:$0x81] =	vst.msk $0xffff, v60  }
0x18: {  	s30 =	sand.u32 $0xF, s29;
	s13 =	sadd.s32 s6, s13;
	[tilespmem:s16+$0x2850 ss:$0x81] =	vst.msk $0xffff, v61;
	s14 =	ssub.s32 s14, s17  }
0x19: {  	s13 =	sadd.s32 s30, s13;
	[tilespmem:s16+$0x3060 ss:$0x81] =	vst.msk $0xffff, v62;
	s14 =	sshll.u32 s14, $0x4  }
0x1a: {  	s31 =	sand.u32 $0x7, s12;
	[tilespmem:s16+$0x0 ss:$0x81] =	vst.msk $0xffff, v63;
	s13 =	sadd.s32 s14, s13  }
0x1b: {  	[hbm4b:s13+s31] =	stream.linear.scatter [tilespmem:s15], [sflag:$0x2], $0x4000, $0x20;
	[tilespmem:$0x10100] =	vst v63  }
.LBB1_5:
0x1c: {  	s15 =	sadd.s32 $0x1000, s8  }
0x1d: {  	s12 =	sadd.s32 $0x80, s9;
	s16 =	smov.u32 s9;
	p2 =	sgt.s32 s15, $0x270FF  }
0x1e: {  	s16 =	smov.u32 @p2 s12  }
0x1f: {  	s12 =	simm.s32 $0x1;
	p3 =	sgt.s32 s16, $0x7F  }
0x20: {  	s12 =	simm.s32 @!p3 $0x0  }
0x21: {  	s18 =	sadd.s32 s12, s10  }
0x22: {  	s15 =	smov.u32 @p2 s2;
	p2 =	sgt.s32 s18, $0x8  }
0x23: {  	p1 =	slt.u32 s11, $0x2;
	s18 =	simm.s32 @p2 $0x0;
	p2 =	sne.s32 s11, s7  }
.Ltmp1:
0x24: {  	s17 =	simm.s32 @!p1 $0x2;
	(pc) =	sbr.rel @!p2 .LBB1_6-.Ltmp1, $4  }
0x25: {  	s14 =	smov.u32 s8;
	s13 =	smov.u32 s10;
	_ =	swait.ge @!p1 [sflag:s17], $0x4000  }
0x26: {  	p0 =	por !p0, !p0;
	[sflag:s17] =	ssyncset.done @!p1 $0x0;
	s8 =	smov.u32 s15  }
0x27: {  	s16 =	simm.s32 @p3 $0x0;
	[sflag:s17] =	ssyncadd.s32 @!p1 $0xFFFFC000;
	s12 =	smov.u32 s9  }
0x28: {  	s9 =	smov.u32 s16;
	s11 =	sadd.s32 $0x1, s11;
	s10 =	smov.u32 s18  }
.LBB1_1:
0x29: {  	p1 =	sge.u32 s11, s5  }
0x2a: {  	s15 =	sshrl.u32 @!p1 s9, $0x3  }
0x2b: {  	s16 =	sshll.u32 @!p1 s8, $0x3;
	s15 =	smul.u32 @!p1 $0x138800, s15  }
0x2c: {  	s17 =	sshll.u32 @!p1 s9, $0x7;
	s16 =	sand.u32 @!p1 $0xFFFFFC00, s16  }
0x2d: {  	s15 =	sadd.s32 @!p1 s15, s16;
	s16 =	sand.u32 @!p1 $0x380, s17  }
0x2e: {  	s17 =	sand.u32 @!p1 $0x7F, s8;
	s15 =	sor.u32 @!p1 s16, s15  }
0x2f: {  	s16 =	sor.u32 @!p1 s17, s15  }
0x30: {  	s17 =	smulhi.u32 @!p1 $0xD1B71759, s16  }
0x31: {  	s15 =	smulhi.u32 @!p1 $0xD1B71759, s15  }
0x32: {  	s17 =	sshrl.u32 @!p1 s17, $0x11  }
0x33: {  	s31 =	sadd.s32 $0xFFFFFFFF, s11;
	s15 =	sshrl.u32 @!p1 s15, $0x11;
	s17 =	smul.u32 @!p1 $0x27100, s17  }
0x34: {  	s18 =	sxor.u32 @!p1 $0xFFFFFFFF, s11;
	s19 =	smul.u32 @!p1 $0x271000, s10;
	s15 =	sand.u32 @!p1 $0x7F, s15  }
0x35: {  	s18 =	sshll.u32 @!p1 s18, $0xE;
	s15 =	smul.u32 @!p1 $0x4E20, s15;
	s16 =	ssub.s32 @!p1 s16, s17  }
0x36: {  	s17 =	sand.u32 @!p1 $0x4000, s18;
	s18 =	sadd.s32 @!p1 s3, s19;
	s19 =	sand.u32 @!p1 $0x7, s16  }
0x37: {  	s16 =	sshrl.u32 @!p1 s16, $0x3;
	s15 =	sadd.s32 @!p1 s15, s18;
	s18 =	sshll.u32 @!p1 s19, $0x12  }
0x38: {  	s15 =	sadd.s32 @!p1 s16, s15;
	s16 =	sor.u32 @!p1 $0x400, s18;
	s18 =	simm.s32 @!p1 $0x138800  }
0x39: {  	[tilespmem:s17], [sflag:$0x1] =	stream.strided.gather @!p1 [hbm4b:s15+s16], $0x4000, s18, s16, $0x38;
	[tilespmem:$0x10100] =	vst v63  }
0x3a: {  	p1 =	sge.u32 s31, s5  }
.Ltmp2:
0x3b: {  	_ = 	snop;
	(pc) =	sbr.rel @p1 .LBB1_5-.Ltmp2, $1  }
0x3c: {  	_ =	sdelay $0x3  }
0x3d: {  	s15 =	simm.s32 $0x1  }
0x3e: {  	_ =	swait.ge [sflag:s4], $0x4000;
	s15 =	simm.s32 @!p0 $0x0  }
0x3f: {  	[sflag:s4] =	ssyncset.done $0x0;
	s16 =	sshll.u32 s15, $0xE  }
0x40: {  	[sflag:s4] =	ssyncadd.s32 $0xFFFFC000;
	s18 =	sor.u32 $0x40, s16  }
0x41: {  	s15 =	smul.u32 $0x10200, s15;
	v0 =	vld [tilespmem:s18+$0x30]  }
0x42: {  	v1 =	vld [tilespmem:s18+$0xFFFFFFD0]  }
0x43: {  	s15 =	sshrl.u32 s15, $0x2;
	v5 =	vld [tilespmem:s18+$0xFFFFFFE0]  }
0x44: {  	v6 =	vld [tilespmem:s18+$0xFFFFFFF0];
	s16 =	sor.u32 $0x8000, s15  }
0x45: {  	s31 =	sand.u32 $0x1, s11;
	v4 =	vld [tilespmem:s18+$0x0];
	s17 =	sadd.s32 $0x0, s16  }
0x46: {  	v2 =	vld [tilespmem:s18+$0x10];
	s15 =	smul.u32 $0x10200, s31;
	[tilespmem:s17+$0x3870 ss:$0x81] =	vst.msk $0xffff, v0  }
0x47: {  	v3 =	vld [tilespmem:s18+$0x20];
	[tilespmem:s17+$0x810 ss:$0x81] =	vst.msk $0xffff, v1  }
0x48: {  	s15 =	sshrl.u32 s15, $0x2;
	v0 =	vld [tilespmem:s18+$0xFFFFFFC0];
	[tilespmem:s17+$0x1020 ss:$0x81] =	vst.msk $0xffff, v5;
	s18 =	sadd.s32 $0x80, s18  }
0x49: {  	s19 =	simm.s32 $0x4;
	s20 =	simm.s32 $0x8;
	s15 =	sor.u32 $0x8000, s15;
	[tilespmem:s17+$0x1830 ss:$0x81] =	vst.msk $0xffff, v6;
	v1 =	vld [tilespmem:s18+$0x30]  }
.LBB1_3:
0x4a: {  	p1 =	sne.s32 s20, $0x1FC;
	v5 =	vld [tilespmem:s18+$0xFFFFFFD0];
	[tilespmem:s17+$0x2040 ss:$0x81] =	vst.msk $0xffff, v4  }
0x4b: {  	v6 =	vld [tilespmem:s18+$0xFFFFFFE0];
	[tilespmem:s17+$0x2850 ss:$0x81] =	vst.msk $0xffff, v2  }
0x4c: {  	s21 =	sshra.s32 s19, $0x2;
	s19 =	smov.u32 s20;
	v7 =	vld [tilespmem:s18+$0xFFFFFFF0];
	[tilespmem:s17+$0x3060 ss:$0x81] =	vst.msk $0xffff, v3  }
.Ltmp3:
0x4d: {  	v4 =	vld [tilespmem:s18+$0x0];
	[tilespmem:s17+$0x0 ss:$0x81] =	vst.msk $0xffff, v0;
	s17 =	sadd.s32 s21, s16;
	(pc) =	sbr.rel @p1 .LBB1_3-.Ltmp3, $4  }
0x4e: {  	v2 =	vld [tilespmem:s18+$0x10];
	[tilespmem:s17+$0x3870 ss:$0x81] =	vst.msk $0xffff, v1  }
0x4f: {  	[tilespmem:s17+$0x810 ss:$0x81] =	vst.msk $0xffff, v5;
	v3 =	vld [tilespmem:s18+$0x20]  }
0x50: {  	v0 =	vld [tilespmem:s18+$0xFFFFFFC0];
	[tilespmem:s17+$0x1020 ss:$0x81] =	vst.msk $0xffff, v6;
	s18 =	sadd.s32 $0x80, s18  }
0x51: {  	s20 =	sadd.s32 $0x4, s20;
	v1 =	vld [tilespmem:s18+$0x30];
	[tilespmem:s17+$0x1830 ss:$0x81] =	vst.msk $0xffff, v7  }
.Ltmp4:
0x52: {  	_ = 	snop;
	(pc) =	sbr.rel .LBB1_4-.Ltmp4, $1  }
0x53: {  	_ =	sdelay $0x3  }
.LBB1_6:
0x54: {  	_ =	sfence.sel $0x180000  }
0x55: {  	s2 =	simm.s32 $0x1;
	[bflag:$0x0] =	sbarrier.arrive $0xFFFF  }
0x56: {  	s31 =	simm.s32 $0x2;
	[sflag:s2] =	ssyncpa.u1 $0x1  }
0x57: {  	[sflag:s31] =	ssyncpa.u1 $0x1  }
0x58: {  	p0 =	sne.s32 s0, $0x0;
	_ =	strace $0x90000047  }
0x59: {  	s0 =	sadd.s32 @!p0 $0x100000, s1;
	[bflag:$0x2] =	sbarrier.arrive $0xFFFF  }
0x5a: {  	[sflag:s0] =	ssyncadd.tile.s32 @!p0 $0x1;
	_ =	shalt  }
.Lfunc_end1:
_tile_overlayer_lowered:
.L_overlay_start_2:
0x5b: {  	(tag) =	ssettag $0x2  }
0x5c: {  	s0 =	rddreg [dreg:$0x0];
	s2 =	stileid.u32  }
0x5d: {  	s1 =	rddreg [dreg:$0x1];
	p0 =	sne.s32 s2, $0x0  }
0x5e: {  	s3 =	rddreg [dreg:$0x2];
	[bflag:$0x3] =	sbarrier.arrive $0xFFFF;
	s2 =	simm.s32 @!p0 $0x1C01  }
0x5f: {  	[timem:s3], [sflag:s2] =	dma.local @!p0 [hbm:s0], s1  }
0x60: {  	s0 =	simm.s32 @!p0 $0x1  }
0x61: {  	_ =	swait.ge @!p0 [sflag:s0], s1  }
0x62: {  	s1 =	ssub.s32 @!p0 $0x0, s1;
	[sflag:s0] =	ssyncset.done @!p0 $0x0  }
0x63: {  	[sflag:s0] =	ssyncadd.s32 @!p0 s1  }
0x64: {  	[bflag:$0x3] =	sbarrier.arrive $0xFFFF  }
0x65: {  	_ =	shalt  }

</sc_bundles>
